<compile_context>
chip_gen: v7x
topology: tpu7x:2x2x1
jax: 0.10.2.dev20260603
libtpu: 0.0.44.dev20260713+nightly
codegen_flags: <defaults>
</compile_context>

<pallas_src>
import jax
import jax.numpy as jnp
from jax.experimental import pallas as pl
from jax.experimental.pallas import tpu as pltpu


def _pool_body(x_ref, out_ref, *, hw):
    out_ref[0, 0, :] = jnp.sum(x_ref[0], axis=1) / jnp.float32(hw)


def _rank_body(r_ref, rt_ref, idx_ref, *, bsz, c, k):
    jrow = jax.lax.broadcasted_iota(jnp.int32, (c, c), 0)
    icol = jax.lax.broadcasted_iota(jnp.int32, (c, c), 1)
    prow = jax.lax.broadcasted_iota(jnp.int32, (k, c), 0)
    ccol = jax.lax.broadcasted_iota(jnp.int32, (k, c), 1)
    for b in range(bsz):
        r_lane = jnp.broadcast_to(r_ref[b:b + 1, :], (c, c))
        r_sub = jnp.broadcast_to(rt_ref[:, b:b + 1], (c, c))
        m = (r_sub > r_lane) | ((r_sub == r_lane) & (jrow < icol))
        rank = jnp.sum(m.astype(jnp.int32), axis=0, keepdims=True)
        sel = jnp.broadcast_to(rank, (k, c)) == prow
        idx_ref[:, b:b + 1] = jnp.sum(jnp.where(sel, ccol, 0), axis=1,
                                      keepdims=True)


def _gather_body(idx_ref, x_ref, out_ref):
    out_ref[...] = x_ref[...]


def kernel(x, conv_w):
    B, C, H, W = x.shape
    HW = H * W
    k = int(C * 0.5)
    CB = 16
    nb = (B * C) // CB

    x2 = x.reshape(nb, CB, HW)
    pooled3 = pl.pallas_call(
        lambda xr, orf: _pool_body(xr, orf, hw=HW),
        grid=(nb,),
        in_specs=[pl.BlockSpec((1, CB, HW), lambda i: (i, 0, 0))],
        out_specs=pl.BlockSpec((1, 1, CB), lambda i: (i, 0, 0)),
        out_shape=jax.ShapeDtypeStruct((nb, 1, CB), jnp.float32),
    )(x2)
    pooled = pooled3.reshape(B, C)

    padded = jnp.pad(pooled, ((0, 0), (1, 1)))
    conv = (conv_w[0] * padded[:, :-2] + conv_w[1] * padded[:, 1:-1]
            + conv_w[2] * padded[:, 2:])
    r = jax.nn.sigmoid(conv)

    idx_t = pl.pallas_call(
        lambda rr, rt, ir: _rank_body(rr, rt, ir, bsz=B, c=C, k=k),
        out_shape=jax.ShapeDtypeStruct((k, B), jnp.int32),
    )(r, r.T)
    idx = idx_t.T

    x4 = x.reshape(B * C, 1, HW)
    grid_spec = pltpu.PrefetchScalarGridSpec(
        num_scalar_prefetch=1,
        grid=(B, k),
        in_specs=[pl.BlockSpec((1, 1, HW),
                               lambda b, j, idx_ref: (b * C + idx_ref[b, j], 0, 0))],
        out_specs=pl.BlockSpec((1, 1, HW), lambda b, j, idx_ref: (b * k + j, 0, 0)),
    )
    out4 = pl.pallas_call(
        _gather_body,
        grid_spec=grid_spec,
        out_shape=jax.ShapeDtypeStruct((B * k, 1, HW), jnp.float32),
    )(idx, x4)
    return out4.reshape(B, k, H, W)

# --- scband reference (transcript-rebuilt; emitter-appended) ---
"""Pipeline reference for scband-top-krank-17703855194721 (READ-ONLY COPY).

The authoritative reference and input builder live on the scoring server;
editing this copy changes nothing except your own understanding.
"""

import jax, jax.numpy as jnp
import numpy as np


def setup_inputs(seed: int = 0) -> dict:
    key = jax.random.key(seed)
    k1, k2 = jax.random.split(key)
    x = jax.random.normal(k1, (4, 384, 224, 224), dtype=jnp.float32)
    # Conv1d(1, 1, kernel_size=3, padding=1, bias=False) weight, flattened to [3]
    conv_w = jax.random.normal(k2, (3,), dtype=jnp.float32) * 0.1
    return {"x": x, "conv_w": conv_w}


def reference(x, conv_w):
    B, C, H, W = x.shape
    k = int(C * 0.5)
    # ChannelAttention (ECA): global average pool -> 1D conv over channel dim -> sigmoid
    pooled = jnp.mean(x, axis=(2, 3))  # [B, C] == AdaptiveAvgPool2d(1) squeezed
    padded = jnp.pad(pooled, ((0, 0), (1, 1)))  # padding=(k_size-1)//2 = 1
    conv = conv_w[0] * padded[:, :-2] + conv_w[1] * padded[:, 1:-1] + conv_w[2] * padded[:, 2:]
    channel_ranks = jax.nn.sigmoid(conv)  # [B, C]
    # sort descending over channel dim, keep top-k indices
    sorted_idxs = jnp.argsort(-channel_ranks, axis=1)
    sorted_k_idxs = sorted_idxs[:, :k]  # [B, k]
    # gather the top-k channels per sample (vectorized form of the python loop)
    out = jnp.take_along_axis(x, sorted_k_idxs[:, :, None, None], axis=1)  # [B, k, H, W]
    return out

if __name__ == "__main__":
    import jax
    _d = setup_inputs()
    print(jax.jit(kernel)(*tuple(_d.values())))

</pallas_src>

<mosaic_0001>
module attributes {stable_mosaic.version = 14 : i64} {
  func.func @_lambda_(%arg0: i32, %arg1: memref<1x16x50176xf32, #tpu.memory_space<vmem>>, %arg2: memref<1x1x16xf32, #tpu.memory_space<vmem>>) attributes {dimension_semantics = [#tpu.dimension_semantics<arbitrary>], iteration_bounds = array<i64: 96>, scalar_prefetch = 0 : i64, scratch_operands = 0 : i64, tpu.core_type = #tpu.core_type<tc>, window_params = [{transform_indices = @transform_0, window_bounds = array<i64: 1, 16, 50176>}, {transform_indices = @transform_1, window_bounds = array<i64: 1, 1, 16>}]} {
    %get3A = arith.constant 0 : index
    %get3A_0 = arith.constant 0 : index
    %get3A_1 = arith.constant 0 : index
    %get3A_2 = vector.load %arg1[%get3A, %get3A_0, %get3A_1] : memref<1x16x50176xf32, #tpu.memory_space<vmem>>, vector<1x16x50176xf32>
    %get3A_3 = vector.shape_cast %get3A_2 : vector<1x16x50176xf32> to vector<16x50176xf32>
    %reduce_sum3A = arith.constant dense<0.000000e+00> : vector<16xf32>
    %reduce_sum3A_4 = vector.multi_reduction <add>, %get3A_3, %reduce_sum3A [1] : vector<16x50176xf32> to vector<16xf32>
    %div3A = arith.constant 5.017600e+04 : f32
    %div3A_5 = vector.broadcast %div3A : f32 to vector<16xf32>
    %div3A_6 = arith.divf %reduce_sum3A_4, %div3A_5 : vector<16xf32>
    %swap3A = arith.constant 0 : index
    %swap3A_7 = arith.constant 0 : index
    %swap3A_8 = arith.constant 0 : index
    %swap3A_9 = vector.load %arg2[%swap3A, %swap3A_7, %swap3A_8] : memref<1x1x16xf32, #tpu.memory_space<vmem>>, vector<1x1x16xf32>
    %swap3A_10 = vector.shape_cast %swap3A_9 : vector<1x1x16xf32> to vector<16xf32>
    %swap3A_11 = vector.shape_cast %div3A_6 : vector<16xf32> to vector<1x1x16xf32>
    tpu.vector_store %arg2[%swap3A, %swap3A_7, %swap3A_8], %swap3A_11 {strides = array<i32>} : memref<1x1x16xf32, #tpu.memory_space<vmem>>, vector<1x1x16xf32>,
    return
  }
  func.func @transform_0(%arg0: i32) -> (i32, i32, i32) {
    %c0_i32 = arith.constant 0 : i32
    %c0_i32_0 = arith.constant 0 : i32
    %c0_i32_1 = arith.constant 0 : i32
    return %arg0, %c0_i32, %c0_i32_0 : i32, i32, i32
  }
  func.func @transform_1(%arg0: i32) -> (i32, i32, i32) {
    %c0_i32 = arith.constant 0 : i32
    %c0_i32_0 = arith.constant 0 : i32
    %c0_i32_1 = arith.constant 0 : i32
    return %arg0, %c0_i32, %c0_i32_0 : i32, i32, i32
  }
}

module attributes {stable_mosaic.version = 14 : i64} {
  func.func @_lambda_(%arg0: memref<4x384xf32, #tpu.memory_space<vmem>>, %arg1: memref<384x4xf32, #tpu.memory_space<vmem>>, %arg2: memref<192x4xi32, #tpu.memory_space<vmem>>) attributes {dimension_semantics = [], scalar_prefetch = 0 : i64, scratch_operands = 0 : i64, tpu.core_type = #tpu.core_type<tc>} {
    %iota3A = tpu.iota {dimensions = array<i32: 0>} : vector<384x384xi32>
    %iota3A_0 = tpu.iota {dimensions = array<i32: 1>} : vector<384x384xi32>
    %iota3A_1 = tpu.iota {dimensions = array<i32: 0>} : vector<192x384xi32>
    %iota3A_2 = tpu.iota {dimensions = array<i32: 1>} : vector<192x384xi32>
    %get3A = arith.constant 0 : index
    %get3A_3 = arith.constant 0 : index
    %get3A_4 = vector.load %arg0[%get3A, %get3A_3] : memref<4x384xf32, #tpu.memory_space<vmem>>, vector<1x384xf32>
    %broadcast_in_dim3A = vector.shape_cast %get3A_4 : vector<1x384xf32> to vector<1x384xf32>
    %broadcast_in_dim3A_5 = vector.broadcast %broadcast_in_dim3A : vector<1x384xf32> to vector<384x384xf32>
    %get3A_6 = arith.constant 0 : index
    %get3A_7 = arith.constant 0 : index
    %get3A_8 = vector.load %arg1[%get3A_6, %get3A_7] : memref<384x4xf32, #tpu.memory_space<vmem>>, vector<384x1xf32>
    %broadcast_in_dim3A_9 = vector.shape_cast %get3A_8 : vector<384x1xf32> to vector<384x1xf32>
    %broadcast_in_dim3A_10 = vector.broadcast %broadcast_in_dim3A_9 : vector<384x1xf32> to vector<384x384xf32>
    %gt3A = arith.cmpf ogt, %broadcast_in_dim3A_10, %broadcast_in_dim3A_5 : vector<384x384xf32>
    %eq3A = arith.cmpf oeq, %broadcast_in_dim3A_10, %broadcast_in_dim3A_5 : vector<384x384xf32>
    %lt3A = arith.cmpi slt, %iota3A, %iota3A_0 : vector<384x384xi32>
    %and3A = arith.andi %eq3A, %lt3A : vector<384x384xi1>
    %or3A = arith.ori %gt3A, %and3A : vector<384x384xi1>
    %convert_element_type3A = arith.extui %or3A : vector<384x384xi1> to vector<384x384xi32>
    %reduce_sum3A = arith.constant dense<0> : vector<384xi32>
    %reduce_sum3A_11 = vector.multi_reduction <add>, %convert_element_type3A, %reduce_sum3A [0] : vector<384x384xi32> to vector<384xi32>
    %broadcast_in_dim3A_12 = vector.shape_cast %reduce_sum3A_11 : vector<384xi32> to vector<1x384xi32>
    %broadcast_in_dim3A_13 = vector.shape_cast %broadcast_in_dim3A_12 : vector<1x384xi32> to vector<1x384xi32>
    %broadcast_in_dim3A_14 = vector.broadcast %broadcast_in_dim3A_13 : vector<1x384xi32> to vector<192x384xi32>
    %eq3A_15 = arith.cmpi eq, %broadcast_in_dim3A_14, %iota3A_1 : vector<192x384xi32>
    %jit3A = arith.constant 0 : i32
    %broadcast_in_dim3A_16 = vector.broadcast %jit3A : i32 to vector<192x384xi32>
    %select_n3A = arith.select %eq3A_15, %iota3A_2, %broadcast_in_dim3A_16 : vector<192x384xi1>, vector<192x384xi32>
    %reduce_sum3A_17 = arith.constant dense<0> : vector<192xi32>
    %reduce_sum3A_18 = vector.multi_reduction <add>, %select_n3A, %reduce_sum3A_17 [1] : vector<192x384xi32> to vector<192xi32>
    %broadcast_in_dim3A_19 = vector.shape_cast %reduce_sum3A_18 : vector<192xi32> to vector<192x1xi32>
    %swap3A = arith.constant 0 : index
    %swap3A_20 = arith.constant 0 : index
    %swap3A_21 = vector.load %arg2[%swap3A, %swap3A_20] : memref<192x4xi32, #tpu.memory_space<vmem>>, vector<192x1xi32>
    tpu.vector_store %arg2[%swap3A, %swap3A_20], %broadcast_in_dim3A_19 {strides = array<i32>} : memref<192x4xi32, #tpu.memory_space<vmem>>, vector<192x1xi32>,
    %get3A_22 = arith.constant 1 : index
    %get3A_23 = arith.constant 0 : index
    %get3A_24 = vector.load %arg0[%get3A_22, %get3A_23] : memref<4x384xf32, #tpu.memory_space<vmem>>, vector<1x384xf32>
    %broadcast_in_dim3A_25 = vector.shape_cast %get3A_24 : vector<1x384xf32> to vector<1x384xf32>
    %broadcast_in_dim3A_26 = vector.broadcast %broadcast_in_dim3A_25 : vector<1x384xf32> to vector<384x384xf32>
    %get3A_27 = arith.constant 0 : index
    %get3A_28 = arith.constant 1 : index
    %get3A_29 = vector.load %arg1[%get3A_27, %get3A_28] : memref<384x4xf32, #tpu.memory_space<vmem>>, vector<384x1xf32>
    %broadcast_in_dim3A_30 = vector.shape_cast %get3A_29 : vector<384x1xf32> to vector<384x1xf32>
    %broadcast_in_dim3A_31 = vector.broadcast %broadcast_in_dim3A_30 : vector<384x1xf32> to vector<384x384xf32>
    %gt3A_32 = arith.cmpf ogt, %broadcast_in_dim3A_31, %broadcast_in_dim3A_26 : vector<384x384xf32>
    %eq3A_33 = arith.cmpf oeq, %broadcast_in_dim3A_31, %broadcast_in_dim3A_26 : vector<384x384xf32>
    %lt3A_34 = arith.cmpi slt, %iota3A, %iota3A_0 : vector<384x384xi32>
    %and3A_35 = arith.andi %eq3A_33, %lt3A_34 : vector<384x384xi1>
    %or3A_36 = arith.ori %gt3A_32, %and3A_35 : vector<384x384xi1>
    %convert_element_type3A_37 = arith.extui %or3A_36 : vector<384x384xi1> to vector<384x384xi32>
    %reduce_sum3A_38 = arith.constant dense<0> : vector<384xi32>
    %reduce_sum3A_39 = vector.multi_reduction <add>, %convert_element_type3A_37, %reduce_sum3A_38 [0] : vector<384x384xi32> to vector<384xi32>
    %broadcast_in_dim3A_40 = vector.shape_cast %reduce_sum3A_39 : vector<384xi32> to vector<1x384xi32>
    %broadcast_in_dim3A_41 = vector.shape_cast %broadcast_in_dim3A_40 : vector<1x384xi32> to vector<1x384xi32>
    %broadcast_in_dim3A_42 = vector.broadcast %broadcast_in_dim3A_41 : vector<1x384xi32> to vector<192x384xi32>
    %eq3A_43 = arith.cmpi eq, %broadcast_in_dim3A_42, %iota3A_1 : vector<192x384xi32>
    %jit3A_44 = arith.constant 0 : i32
    %broadcast_in_dim3A_45 = vector.broadcast %jit3A_44 : i32 to vector<192x384xi32>
    %select_n3A_46 = arith.select %eq3A_43, %iota3A_2, %broadcast_in_dim3A_45 : vector<192x384xi1>, vector<192x384xi32>
    %reduce_sum3A_47 = arith.constant dense<0> : vector<192xi32>
    %reduce_sum3A_48 = vector.multi_reduction <add>, %select_n3A_46, %reduce_sum3A_47 [1] : vector<192x384xi32> to vector<192xi32>
    %broadcast_in_dim3A_49 = vector.shape_cast %reduce_sum3A_48 : vector<192xi32> to vector<192x1xi32>
    %swap3A_50 = arith.constant 0 : index
    %swap3A_51 = arith.constant 1 : index
    %swap3A_52 = vector.load %arg2[%swap3A_50, %swap3A_51] : memref<192x4xi32, #tpu.memory_space<vmem>>, vector<192x1xi32>
    tpu.vector_store %arg2[%swap3A_50, %swap3A_51], %broadcast_in_dim3A_49 {strides = array<i32>} : memref<192x4xi32, #tpu.memory_space<vmem>>, vector<192x1xi32>,
    %get3A_53 = arith.constant 2 : index
    %get3A_54 = arith.constant 0 : index
    %get3A_55 = vector.load %arg0[%get3A_53, %get3A_54] : memref<4x384xf32, #tpu.memory_space<vmem>>, vector<1x384xf32>
    %broadcast_in_dim3A_56 = vector.shape_cast %get3A_55 : vector<1x384xf32> to vector<1x384xf32>
    %broadcast_in_dim3A_57 = vector.broadcast %broadcast_in_dim3A_56 : vector<1x384xf32> to vector<384x384xf32>
    %get3A_58 = arith.constant 0 : index
    %get3A_59 = arith.constant 2 : index
    %get3A_60 = vector.load %arg1[%get3A_58, %get3A_59] : memref<384x4xf32, #tpu.memory_space<vmem>>, vector<384x1xf32>
    %broadcast_in_dim3A_61 = vector.shape_cast %get3A_60 : vector<384x1xf32> to vector<384x1xf32>
    %broadcast_in_dim3A_62 = vector.broadcast %broadcast_in_dim3A_61 : vector<384x1xf32> to vector<384x384xf32>
    %gt3A_63 = arith.cmpf ogt, %broadcast_in_dim3A_62, %broadcast_in_dim3A_57 : vector<384x384xf32>
    %eq3A_64 = arith.cmpf oeq, %broadcast_in_dim3A_62, %broadcast_in_dim3A_57 : vector<384x384xf32>
    %lt3A_65 = arith.cmpi slt, %iota3A, %iota3A_0 : vector<384x384xi32>
    %and3A_66 = arith.andi %eq3A_64, %lt3A_65 : vector<384x384xi1>
    %or3A_67 = arith.ori %gt3A_63, %and3A_66 : vector<384x384xi1>
    %convert_element_type3A_68 = arith.extui %or3A_67 : vector<384x384xi1> to vector<384x384xi32>
    %reduce_sum3A_69 = arith.constant dense<0> : vector<384xi32>
    %reduce_sum3A_70 = vector.multi_reduction <add>, %convert_element_type3A_68, %reduce_sum3A_69 [0] : vector<384x384xi32> to vector<384xi32>
    %broadcast_in_dim3A_71 = vector.shape_cast %reduce_sum3A_70 : vector<384xi32> to vector<1x384xi32>
    %broadcast_in_dim3A_72 = vector.shape_cast %broadcast_in_dim3A_71 : vector<1x384xi32> to vector<1x384xi32>
    %broadcast_in_dim3A_73 = vector.broadcast %broadcast_in_dim3A_72 : vector<1x384xi32> to vector<192x384xi32>
    %eq3A_74 = arith.cmpi eq, %broadcast_in_dim3A_73, %iota3A_1 : vector<192x384xi32>
    %jit3A_75 = arith.constant 0 : i32
    %broadcast_in_dim3A_76 = vector.broadcast %jit3A_75 : i32 to vector<192x384xi32>
    %select_n3A_77 = arith.select %eq3A_74, %iota3A_2, %broadcast_in_dim3A_76 : vector<192x384xi1>, vector<192x384xi32>
    %reduce_sum3A_78 = arith.constant dense<0> : vector<192xi32>
    %reduce_sum3A_79 = vector.multi_reduction <add>, %select_n3A_77, %reduce_sum3A_78 [1] : vector<192x384xi32> to vector<192xi32>
    %broadcast_in_dim3A_80 = vector.shape_cast %reduce_sum3A_79 : vector<192xi32> to vector<192x1xi32>
    %swap3A_81 = arith.constant 0 : index
    %swap3A_82 = arith.constant 2 : index
    %swap3A_83 = vector.load %arg2[%swap3A_81, %swap3A_82] : memref<192x4xi32, #tpu.memory_space<vmem>>, vector<192x1xi32>
    tpu.vector_store %arg2[%swap3A_81, %swap3A_82], %broadcast_in_dim3A_80 {strides = array<i32>} : memref<192x4xi32, #tpu.memory_space<vmem>>, vector<192x1xi32>,
    %get3A_84 = arith.constant 3 : index
    %get3A_85 = arith.constant 0 : index
    %get3A_86 = vector.load %arg0[%get3A_84, %get3A_85] : memref<4x384xf32, #tpu.memory_space<vmem>>, vector<1x384xf32>
    %broadcast_in_dim3A_87 = vector.shape_cast %get3A_86 : vector<1x384xf32> to vector<1x384xf32>
    %broadcast_in_dim3A_88 = vector.broadcast %broadcast_in_dim3A_87 : vector<1x384xf32> to vector<384x384xf32>
    %get3A_89 = arith.constant 0 : index
    %get3A_90 = arith.constant 3 : index
    %get3A_91 = vector.load %arg1[%get3A_89, %get3A_90] : memref<384x4xf32, #tpu.memory_space<vmem>>, vector<384x1xf32>
    %broadcast_in_dim3A_92 = vector.shape_cast %get3A_91 : vector<384x1xf32> to vector<384x1xf32>
    %broadcast_in_dim3A_93 = vector.broadcast %broadcast_in_dim3A_92 : vector<384x1xf32> to vector<384x384xf32>
    %gt3A_94 = arith.cmpf ogt, %broadcast_in_dim3A_93, %broadcast_in_dim3A_88 : vector<384x384xf32>
    %eq3A_95 = arith.cmpf oeq, %broadcast_in_dim3A_93, %broadcast_in_dim3A_88 : vector<384x384xf32>
    %lt3A_96 = arith.cmpi slt, %iota3A, %iota3A_0 : vector<384x384xi32>
    %and3A_97 = arith.andi %eq3A_95, %lt3A_96 : vector<384x384xi1>
    %or3A_98 = arith.ori %gt3A_94, %and3A_97 : vector<384x384xi1>
    %convert_element_type3A_99 = arith.extui %or3A_98 : vector<384x384xi1> to vector<384x384xi32>
    %reduce_sum3A_100 = arith.constant dense<0> : vector<384xi32>
    %reduce_sum3A_101 = vector.multi_reduction <add>, %convert_element_type3A_99, %reduce_sum3A_100 [0] : vector<384x384xi32> to vector<384xi32>
    %broadcast_in_dim3A_102 = vector.shape_cast %reduce_sum3A_101 : vector<384xi32> to vector<1x384xi32>
    %broadcast_in_dim3A_103 = vector.shape_cast %broadcast_in_dim3A_102 : vector<1x384xi32> to vector<1x384xi32>
    %broadcast_in_dim3A_104 = vector.broadcast %broadcast_in_dim3A_103 : vector<1x384xi32> to vector<192x384xi32>
    %eq3A_105 = arith.cmpi eq, %broadcast_in_dim3A_104, %iota3A_1 : vector<192x384xi32>
    %jit3A_106 = arith.constant 0 : i32
    %broadcast_in_dim3A_107 = vector.broadcast %jit3A_106 : i32 to vector<192x384xi32>
    %select_n3A_108 = arith.select %eq3A_105, %iota3A_2, %broadcast_in_dim3A_107 : vector<192x384xi1>, vector<192x384xi32>
    %reduce_sum3A_109 = arith.constant dense<0> : vector<192xi32>
    %reduce_sum3A_110 = vector.multi_reduction <add>, %select_n3A_108, %reduce_sum3A_109 [1] : vector<192x384xi32> to vector<192xi32>
    %broadcast_in_dim3A_111 = vector.shape_cast %reduce_sum3A_110 : vector<192xi32> to vector<192x1xi32>
    %swap3A_112 = arith.constant 0 : index
    %swap3A_113 = arith.constant 3 : index
    %swap3A_114 = vector.load %arg2[%swap3A_112, %swap3A_113] : memref<192x4xi32, #tpu.memory_space<vmem>>, vector<192x1xi32>
    tpu.vector_store %arg2[%swap3A_112, %swap3A_113], %broadcast_in_dim3A_111 {strides = array<i32>} : memref<192x4xi32, #tpu.memory_space<vmem>>, vector<192x1xi32>,
    return
  }
}

module attributes {stable_mosaic.version = 14 : i64} {
  func.func @_gather_body(%arg0: i32, %arg1: i32, %arg2: memref<4x192xi32, #tpu.memory_space<smem>>, %arg3: memref<1x1x50176xf32, #tpu.memory_space<vmem>>, %arg4: memref<1x1x50176xf32, #tpu.memory_space<vmem>>) attributes {dimension_semantics = [#tpu.dimension_semantics<arbitrary>, #tpu.dimension_semantics<arbitrary>], iteration_bounds = array<i64: 4, 192>, scalar_prefetch = 1 : i64, scratch_operands = 0 : i64, tpu.core_type = #tpu.core_type<tc>, window_params = [{transform_indices = @transform_0, window_bounds = array<i64: 1, 1, 50176>}, {transform_indices = @transform_1, window_bounds = array<i64: 1, 1, 50176>}]} {
    %get3A = arith.constant 0 : index
    %get3A_0 = arith.constant 0 : index
    %get3A_1 = arith.constant 0 : index
    %get3A_2 = vector.load %arg3[%get3A, %get3A_0, %get3A_1] : memref<1x1x50176xf32, #tpu.memory_space<vmem>>, vector<1x1x50176xf32>
    %swap3A = arith.constant 0 : index
    %swap3A_3 = arith.constant 0 : index
    %swap3A_4 = arith.constant 0 : index
    %swap3A_5 = vector.load %arg4[%swap3A, %swap3A_3, %swap3A_4] : memref<1x1x50176xf32, #tpu.memory_space<vmem>>, vector<1x1x50176xf32>
    tpu.vector_store %arg4[%swap3A, %swap3A_3, %swap3A_4], %get3A_2 {strides = array<i32>} : memref<1x1x50176xf32, #tpu.memory_space<vmem>>, vector<1x1x50176xf32>,
    return
  }
  func.func @transform_0(%arg0: i32, %arg1: i32, %arg2: memref<4x192xi32, #tpu.memory_space<smem>>) -> (i32, i32, i32) {
    %mul3A = arith.constant 384 : i32
    %mul3A_0 = arith.muli %arg0, %mul3A : i32
    %get3A = arith.index_cast %arg0 : i32 to index
    %get3A_1 = arith.index_cast %arg1 : i32 to index
    %get3A_2 = memref.load %arg2[%get3A, %get3A_1] : memref<4x192xi32, #tpu.memory_space<smem>>
    %add3A = arith.addi %mul3A_0, %get3A_2 : i32
    %c0_i32 = arith.constant 0 : i32
    %c0_i32_3 = arith.constant 0 : i32
    %c0_i32_4 = arith.constant 0 : i32
    return %add3A, %c0_i32, %c0_i32_3 : i32, i32, i32
  }
  func.func @transform_1(%arg0: i32, %arg1: i32, %arg2: memref<4x192xi32, #tpu.memory_space<smem>>) -> (i32, i32, i32) {
    %mul3A = arith.constant 192 : i32
    %mul3A_0 = arith.muli %arg0, %mul3A : i32
    %add3A = arith.addi %mul3A_0, %arg1 : i32
    %c0_i32 = arith.constant 0 : i32
    %c0_i32_1 = arith.constant 0 : i32
    %c0_i32_2 = arith.constant 0 : i32
    return %add3A, %c0_i32, %c0_i32_1 : i32, i32, i32
  }
}

</mosaic_0001>

<sc_bundles>
// kernel: sparse-core-data-format-call.cloned.1.call-start
scs
called_computation_lowered:
.L_overlay_start_0:
0x0: {  	s2 =	sld [smem:$0x3FD9]  }
0x1: {  	s3 =	sld [smem:$0x3FFE];
	_ =	sdelay $0x1  }
0x2: {  	s1 =	srdreg.scid  }
0x3: {  	s0 =	sand.u32 $0x1, s1  }
0x4: {  	s18 =	sshll.u32 s0, $0xA;
	s2 =	sadd.s32 s3, s2  }
0x5: {  	s2 =	sadd.s32 s2, s18  }
0x6: {  	[smem:$0x3FC6] =	sst s2  }
0x7: {  	_ = 	snop  }
0x8: {  	s2 =	sld [smem:$0x3FC9];
	(tm) =	ssettm $0x1  }
0x9: {  	s19 =	sld [smem:$0x3FFB];
	_ =	sdelay $0x3  }
0xa: {  	_ =	strace s19  }
0xb: {  	s3 =	sld [smem:$0x3FFC];
	_ =	sdelay $0x3  }
0xc: {  	_ =	strace s3  }
0xd: {  	s3 =	sld [smem:$0x3FFD];
	_ =	sdelay $0x3  }
0xe: {  	_ =	strace s3  }
0xf: {  	_ =	strace $0x8FFFFFFF  }
0x10: {  	s20 =	sld [smem:$0x3FDB];
	_ =	sdelay $0x1  }
0x11: {  	s4 =	simm.s32 $_scs_section_size  }
0x12: {  	s5 =	simm.s32 $_size__tile_overlayer_lowered;
	s6 =	simm.s32 $_tile_overlayer_lowered  }
0x13: {  	s23 =	simm.s32 $0x1BFF;
	s22 =	sshll.u32 s6, $0x1;
	s3 =	sadd.s32 s4, s20  }
0x14: {  	s7 =	simm.s32 $0x0;
	s21 =	sshll.u32 s5, $0x1;
	s5 =	sadd.s32 s22, s3  }
0x15: {  	[timem:s7], [sflag:s23] =	dma.local [hbm:s5], s21  }
0x16: {  	_ =	swait.ge [sflag:s23], s21  }
0x17: {  	s4 =	ssub.s32 $0x0, s21;
	[sflag:s23] =	ssyncset.done $0x0  }
0x18: {  	[sflag:s23] =	ssyncadd.s32 s4;
	_ =	sdelay $0x1  }
0x19: {  	s24 =	simm.s32 $0x1B8B  }
0x1a: {  	_ =	swait.ge [sflag:s24], $0x1  }
0x1b: {  	[sflag:s24] =	ssyncset.done $0x0  }
0x1c: {  	s26 =	simm.s32 $0x1B8E;
	s25 =	sld [smem:$0x3FFE];
	[sflag:s24] =	ssyncadd.s32 $0xFFFFFFFF  }
0x1d: {  	s27 =	simm.s32 $execute0_lowered;
	[smem:$0x3FD2] =	sst s26  }
0x1e: {  	s5 =	sshll.u32 s27, $0x1;
	_ =	strace $0x80000046;
	[dreg:$0x1] =	wrdreg $0xFFFFFFFF  }
0x1f: {  	s28 =	simm.s32 $_size_execute0_lowered;
	s3 =	sadd.s32 s3, s5;
	[dreg:$0x0] =	wrdreg $0x0  }
0x20: {  	s5 =	sshll.u32 s28, $0x1;
	[dreg:$0x2] =	wrdreg s3  }
0x21: {  	[dreg:$0x3] =	wrdreg s5  }
0x22: {  	[dreg:$0x4] =	wrdreg $0xC0  }
0x23: {  	_ =	task [dreg:s7], $0x5FFFF  }
0x24: {  	[dreg:$0x1] =	wrdreg $0xFFFFFFFF  }
0x25: {  	[dreg:$0x0] =	wrdreg $0x60  }
0x26: {  	[dreg:$0x2] =	wrdreg s2  }
0x27: {  	[dreg:$0x3] =	wrdreg s25  }
0x28: {  	[dreg:$0x4] =	wrdreg $0x9  }
0x29: {  	_ =	task.clear_ibuf [dreg:s7], $0x5FFFF;
	_ =	strace $0x90000046  }
0x2a: {  	s29 =	simm.s32 $0x9;
	_ =	strace $0x80000048  }
0x2b: {  	_ =	swait.ge [sflag:s29], $0x1  }
0x2c: {  	[sflag:s29] =	ssyncadd.s32 $0xFFFFFFFF  }
0x2d: {  	_ =	strace $0x90000048  }
0x2e: {  	_ =	sfence  }
0x2f: {  	s30 =	sld [smem:$0x0];
	_ =	sdelay $0x2  }
0x30: {  	s31 =	sshll.u32 s1, $0xD;
	s1 =	sshrl.u32 s1, $0x2  }
0x31: {  	s3 =	sand.u32 $0x4000, s31;
	s1 =	sadd.s32 s1, s30  }
0x32: {  	s0 =	sor.u32 s3, s0;
	s1 =	sshll.u32 s1, $0x11  }
0x33: {  	s0 =	sor.u32 s1, s0  }
0x34: {  	s0 =	sadd.s32 $0x8F2B, s0  }
0x35: {  	[sflag:s0] =	ssyncadd.remote.s32 $0x1  }
0x36: {  	_ =	sfence.sel $0xFFFF  }
0x37: {  	[dreg:$0x0] =	wrdreg $0xFFFFFFFF;
	(pc) =	sbr.abs _section_cstart, $3  }
0x38: {  	[dreg:$0x1] =	wrdreg $0xFFFFFFFF  }
0x39: {  	_ =	task.clear_ibuf [dreg:s7], $0x2FFFF;
	_ =	strace $0x9FFFFFFF  }
0x3a: {  	(tm) =	ssettm $0x7FFFFFFF  }
0x3b: {  	_ =	shalt  }
tec
execute0_lowered:
.L_overlay_start_1:
0x0: {  	(tag) =	ssettag $0x1  }
0x1: {  	s2 =	rddreg [dreg:$0x0];
	s0 =	srdreg.scid  }
0x2: {  	s3 =	rddreg [dreg:$0x1];
	s1 =	stileid.u32  }
0x3: {  	s7 =	simm.s32 $0x2;
	s15 =	simm.s32 $0x0;
	p0 =	por $0x0, $0x0  }
0x4: {  	s8 =	simm.s32 $0xE000;
	s14 =	simm.s32 $0x0;
	s17 =	simm.s32 $0x0  }
0x5: {  	s16 =	simm.s32 $0x0;
	s10 =	simm.s32 $0x0;
	s11 =	simm.s32 $0x0  }
.Ltmp0:
0x6: {  	s9 =	simm.s32 $0x0;
	s4 =	sshll.u32 s0, $0x4;
	(pc) =	sbr.rel .LBB1_1-.Ltmp0, $4  }
0x7: {  	s0 =	rddreg [dreg:$0x2];
	_ =	strace $0x80000047;
	s4 =	sand.u32 $0x10, s4  }
0x8: {  	s5 =	sand.u32 $0x3, s1;
	s6 =	sor.u32 s1, s4;
	s4 =	simm.s32 $0x1  }
0x9: {  	s13 =	smov.u32 s5;
	[sflag:s4] =	ssyncpa.u1 $0x0;
	s6 =	sshrl.u32 s6, $0x2  }
0xa: {  	[sflag:s7] =	ssyncpa.u1 $0x0;
	s7 =	simm.s32 $0xC00;
	s12 =	smov.u32 s6  }
.LBB1_3:
0xb: {  	p1 =	seq.s32 s9, $0x0  }
0xc: {  	p2 =	seq.s32 @!p1 s9, $0xA9  }
0xd: {  	p1 =	por p1, p2  }
.Ltmp1:
0xe: {  	_ = 	snop;
	(pc) =	sbr.rel @!p1 .LBB1_4-.Ltmp1, $1  }
0xf: {  	_ =	sdelay $0x3  }
.LBB1_7:
0x10: {  	s18 =	sadd.s32 $0x80, s10  }
0x11: {  	s14 =	sadd.s32 $0x80, s11;
	s19 =	smov.u32 s11;
	p2 =	sgt.s32 s18, $0x17F  }
0x12: {  	s19 =	smov.u32 @p2 s14  }
0x13: {  	s20 =	smov.u32 s12;
	s14 =	sadd.s32 $0x8, s12;
	p3 =	sgt.s32 s19, $0xDF  }
0x14: {  	s20 =	smov.u32 @p3 s14  }
0x15: {  	s21 =	smov.u32 s13;
	s14 =	sadd.s32 $0x4, s13;
	p4 =	sgt.s32 s20, $0xDF  }
0x16: {  	p1 =	slt.u32 s9, $0x2;
	s21 =	smov.u32 @p4 s14  }
0x17: {  	s9 =	sadd.s32 $0x1, s9;
	s18 =	simm.s32 @p2 $0x0;
	p2 =	sgt.s32 s21, $0x3  }
0x18: {  	s15 =	smov.u32 s10;
	s21 =	smov.u32 @p2 s5;
	p2 =	sne.s32 s9, $0xAA  }
.Ltmp2:
0x19: {  	s17 =	smov.u32 s12;
	s22 =	simm.s32 @!p1 $0x2;
	(pc) =	sbr.rel @!p2 .LBB1_8-.Ltmp2, $4  }
0x1a: {  	s16 =	smov.u32 s13;
	p0 =	por !p0, !p0;
	_ =	swait.ge @!p1 [sflag:s22], $0x4000  }
0x1b: {  	[sflag:s22] =	ssyncset.done @!p1 $0x0;
	s10 =	smov.u32 s18;
	s19 =	simm.s32 @p3 $0x0  }
0x1c: {  	[sflag:s22] =	ssyncadd.s32 @!p1 $0xFFFFC000;
	s20 =	smov.u32 @p4 s6;
	s14 =	smov.u32 s11  }
0x1d: {  	s11 =	smov.u32 s19;
	s12 =	smov.u32 s20;
	s13 =	smov.u32 s21  }
.LBB1_1:
0x1e: {  	p1 =	sgt.u32 s9, $0xA7  }
.Ltmp3:
0x1f: {  	_ = 	snop;
	(pc) =	sbr.rel @p1 .LBB1_3-.Ltmp3, $1  }
0x20: {  	_ =	sdelay $0x3  }
0x21: {  	s18 =	sshrl.u32 s11, $0x3  }
0x22: {  	s19 =	sshll.u32 s10, $0x3;
	s18 =	smul.u32 $0xC00, s18  }
0x23: {  	s20 =	sshll.u32 s11, $0x7;
	s19 =	sand.u32 $0xFFFFFC00, s19  }
0x24: {  	s24 =	sand.u32 $0x380, s20;
	s18 =	sadd.s32 s18, s19  }
0x25: {  	s25 =	sand.u32 $0x7F, s10;
	s18 =	sor.u32 s24, s18  }
0x26: {  	p1 =	sgt.s32 s13, $0x3;
	s21 =	smov.u32 s13;
	s19 =	sor.u32 s25, s18  }
0x27: {  	s22 =	sshra.s32 s13, $0x1F;
	s23 =	sxor.u32 $0xFFFFFFFF, s9;
	s20 =	smulhi.u32 $0xAAAAAAAB, s19  }
0x28: {  	s28 =	sshra.s32 s12, $0x1F;
	s21 =	simm.s32 @!p1 $0x3;
	s22 =	sand.u32 s22, s13  }
0x29: {  	s31 =	sshra.s32 s10, $0x1F;
	s21 =	ssub.s32 s21, s22;
	s20 =	sshrl.u32 s20, $0x8  }
0x2a: {  	s26 =	sshll.u32 s23, $0xE;
	s27 =	sadd.s32 $0xFFFFFFFD, s21;
	s20 =	smul.u32 $0x180, s20  }
0x2b: {  	s23 =	sand.u32 s28, s12;
	p1 =	sgt.s32 s27, $0x0;
	s24 =	sshra.s32 s11, $0x1F  }
0x2c: {  	s18 =	smulhi.u32 $0xAAAAAAAB, s18;
	s19 =	ssub.s32 s19, s20;
	s20 =	ssub.s32 $0x4, s21  }
0x2d: {  	s21 =	smov.u32 s12;
	s20 =	simm.s32 @p1 $0x0;
	p1 =	sgt.s32 s12, $0xDF  }
0x2e: {  	s24 =	sand.u32 s24, s11;
	s18 =	sshrl.u32 s18, $0x8;
	s21 =	simm.s32 @!p1 $0xDF  }
0x2f: {  	p1 =	sgt.s32 s11, $0x60;
	s21 =	ssub.s32 s21, s23;
	s23 =	smov.u32 s11  }
0x30: {  	s29 =	smulhi.u32 $0x124924A, s18;
	s25 =	sadd.s32 $0xFFFFFF21, s21;
	s23 =	simm.s32 @!p1 $0x60  }
0x31: {  	s21 =	ssub.s32 $0xE0, s21;
	p1 =	sgt.s32 s25, $0x0;
	s23 =	ssub.s32 s23, s24  }
0x32: {  	s24 =	smul.u32 $0xE0, s29;
	s21 =	simm.s32 @p1 $0x0;
	s30 =	sadd.s32 $0xFFFFFFA0, s23  }
0x33: {  	s20 =	smul.u32 s20, s21;
	p1 =	sgt.s32 s30, $0x7F;
	s21 =	ssub.s32 $0xE0, s23  }
0x34: {  	s23 =	smov.u32 s10;
	s21 =	simm.s32 @p1 $0x0;
	p1 =	sgt.s32 s10, $0x100  }
0x35: {  	s27 =	smul.u32 $0x2A00, s12;
	s25 =	sand.u32 s31, s10;
	s23 =	simm.s32 @!p1 $0x100  }
0x36: {  	s18 =	ssub.s32 s18, s24;
	s20 =	smul.u32 s21, s20;
	s25 =	ssub.s32 s23, s25  }
0x37: {  	s21 =	sand.u32 $0x4000, s26;
	s26 =	smul.u32 $0x24C000, s13;
	s23 =	sadd.s32 $0xFFFFFF00, s25  }
0x38: {  	s18 =	smul.u32 $0x30, s18;
	s22 =	ssub.s32 $0x180, s25;
	p1 =	sgt.s32 s23, $0x7F  }
.Ltmp4:
0x39: {  	s24 =	sadd.s32 s2, s26;
	s22 =	simm.s32 @p1 $0x0;
	(pc) =	sbr.rel .LBB1_3-.Ltmp4, $4  }
0x3a: {  	s29 =	sand.u32 $0x7, s19;
	s28 =	sadd.s32 s27, s24;
	s20 =	smul.u32 s22, s20  }
0x3b: {  	s19 =	sshrl.u32 s19, $0x3;
	s30 =	sshll.u32 s29, $0x12;
	s18 =	sadd.s32 s18, s28  }
0x3c: {  	s31 =	sor.u32 $0x400, s30;
	s18 =	sadd.s32 s19, s18;
	s20 =	sand.u32 $0x3FFFFFFF, s20  }
0x3d: {  	[tilespmem:s21], [sflag:$0x1] =	stream.strided.gather [hbm4b:s18+s31], s20, s7, s31, $0x38;
	[tilespmem:$0x10100] =	vst v63  }
.LBB1_4:
0x3e: {  	p1 =	sgt.s32 s16, $0x3;
	s18 =	smov.u32 s16;
	s19 =	sshra.s32 s16, $0x1F  }
0x3f: {  	s20 =	smov.u32 s17;
	s21 =	sshra.s32 s17, $0x1F;
	s25 =	sshra.s32 s14, $0x1F  }
0x40: {  	s18 =	simm.s32 @!p1 $0x3;
	s19 =	sand.u32 s19, s16;
	p1 =	sgt.s32 s17, $0xDF  }
0x41: {  	s23 =	sand.u32 s21, s17;
	s18 =	ssub.s32 s18, s19;
	s20 =	simm.s32 @!p1 $0xDF  }
0x42: {  	s27 =	sshra.s32 s15, $0x1F;
	s24 =	sadd.s32 $0xFFFFFFFD, s18;
	s19 =	ssub.s32 s20, s23  }
0x43: {  	s18 =	ssub.s32 $0x4, s18;
	p1 =	sgt.s32 s24, $0x0;
	s20 =	sadd.s32 $0xFFFFFF21, s19  }
0x44: {  	s19 =	ssub.s32 $0xE0, s19;
	s18 =	simm.s32 @p1 $0x0;
	p1 =	sgt.s32 s20, $0x0  }
0x45: {  	s20 =	smov.u32 s14;
	s19 =	simm.s32 @p1 $0x0;
	p1 =	sgt.s32 s14, $0x60  }
0x46: {  	s26 =	sand.u32 s25, s14;
	s18 =	smul.u32 s18, s19;
	s20 =	simm.s32 @!p1 $0x60  }
0x47: {  	p1 =	sgt.s32 s15, $0x100;
	s19 =	ssub.s32 s20, s26;
	s20 =	smov.u32 s15  }
0x48: {  	s21 =	sand.u32 s27, s15;
	s22 =	sadd.s32 $0xFFFFFFA0, s19;
	s20 =	simm.s32 @!p1 $0x100  }
0x49: {  	s19 =	ssub.s32 $0xE0, s19;
	p1 =	sgt.s32 s22, $0x7F;
	s20 =	ssub.s32 s20, s21  }
0x4a: {  	s19 =	simm.s32 @p1 $0x0;
	s21 =	sadd.s32 $0xFFFFFF00, s20  }
0x4b: {  	s18 =	smul.u32 s19, s18;
	p1 =	sgt.s32 s21, $0x7F;
	s19 =	ssub.s32 $0x180, s20  }
0x4c: {  	s19 =	simm.s32 @p1 $0x0  }
0x4d: {  	s18 =	smul.u32 s19, s18;
	_ =	sdelay $0x1  }
0x4e: {  	s19 =	simm.s32 $0x1;
	s18 =	sand.u32 $0x3FFFFFFF, s18  }
0x4f: {  	s19 =	simm.s32 @!p0 $0x0;
	_ =	swait.ge [sflag:s4], s18  }
0x50: {  	s28 =	sshll.u32 s19, $0xE;
	s18 =	ssub.s32 $0x0, s18;
	[sflag:s4] =	ssyncset.done $0x0  }
0x51: {  	s29 =	sor.u32 $0x40, s28;
	[sflag:s4] =	ssyncadd.s32 s18  }
0x52: {  	s30 =	smul.u32 $0x10200, s19;
	v0 =	vld [tilespmem:s29+$0x30]  }
0x53: {  	v1 =	vld [tilespmem:s29+$0xFFFFFFD0]  }
0x54: {  	s18 =	sshrl.u32 s30, $0x2;
	v5 =	vld [tilespmem:s29+$0xFFFFFFE0]  }
0x55: {  	s19 =	sor.u32 $0x8000, s18;
	v6 =	vld [tilespmem:s29+$0xFFFFFFF0]  }
0x56: {  	s31 =	sand.u32 $0x1, s9;
	v4 =	vld [tilespmem:s29+$0x0];
	s20 =	sadd.s32 $0x0, s19  }
0x57: {  	s18 =	smul.u32 $0x10200, s31;
	v2 =	vld [tilespmem:s29+$0x10];
	[tilespmem:s20+$0x3870 ss:$0x81] =	vst.msk $0xffff, v0  }
0x58: {  	v3 =	vld [tilespmem:s29+$0x20];
	[tilespmem:s20+$0x810 ss:$0x81] =	vst.msk $0xffff, v1  }
0x59: {  	s21 =	sadd.s32 $0x80, s29;
	s18 =	sshrl.u32 s18, $0x2;
	v0 =	vld [tilespmem:s29+$0xFFFFFFC0];
	[tilespmem:s20+$0x1020 ss:$0x81] =	vst.msk $0xffff, v5  }
0x5a: {  	s23 =	simm.s32 $0x8;
	s22 =	simm.s32 $0x4;
	s18 =	sor.u32 $0x8000, s18;
	v1 =	vld [tilespmem:s21+$0x30];
	[tilespmem:s20+$0x1830 ss:$0x81] =	vst.msk $0xffff, v6  }
.LBB1_5:
0x5b: {  	p1 =	sne.s32 s23, $0x1FC;
	v5 =	vld [tilespmem:s21+$0xFFFFFFD0];
	[tilespmem:s20+$0x2040 ss:$0x81] =	vst.msk $0xffff, v4  }
0x5c: {  	v6 =	vld [tilespmem:s21+$0xFFFFFFE0];
	[tilespmem:s20+$0x2850 ss:$0x81] =	vst.msk $0xffff, v2  }
0x5d: {  	s24 =	sshra.s32 s22, $0x2;
	s22 =	smov.u32 s23;
	v7 =	vld [tilespmem:s21+$0xFFFFFFF0];
	[tilespmem:s20+$0x3060 ss:$0x81] =	vst.msk $0xffff, v3  }
.Ltmp5:
0x5e: {  	v4 =	vld [tilespmem:s21+$0x0];
	[tilespmem:s20+$0x0 ss:$0x81] =	vst.msk $0xffff, v0;
	s20 =	sadd.s32 s24, s19;
	(pc) =	sbr.rel @p1 .LBB1_5-.Ltmp5, $4  }
0x5f: {  	v2 =	vld [tilespmem:s21+$0x10];
	[tilespmem:s20+$0x3870 ss:$0x81] =	vst.msk $0xffff, v1  }
0x60: {  	[tilespmem:s20+$0x810 ss:$0x81] =	vst.msk $0xffff, v5;
	v3 =	vld [tilespmem:s21+$0x20]  }
0x61: {  	v0 =	vld [tilespmem:s21+$0xFFFFFFC0];
	[tilespmem:s20+$0x1020 ss:$0x81] =	vst.msk $0xffff, v6;
	s21 =	sadd.s32 $0x80, s21  }
0x62: {  	s23 =	sadd.s32 $0x4, s23;
	v1 =	vld [tilespmem:s21+$0x30];
	[tilespmem:s20+$0x1830 ss:$0x81] =	vst.msk $0xffff, v7  }
0x63: {  	s23 =	sshll.u32 s17, $0x8;
	s24 =	sshll.u32 s14, $0x3;
	v5 =	vld [tilespmem:s21+$0xFFFFFFD0];
	[tilespmem:s20+$0x2040 ss:$0x81] =	vst.msk $0xffff, v4  }
0x64: {  	s26 =	sshll.u32 s17, $0x7;
	v58 =	vld [tilespmem:s21+$0xFFFFFFE0];
	s23 =	sand.u32 $0xFFFFF800, s23;
	s24 =	sand.u32 $0xFFFFFC00, s24;
	[tilespmem:s20+$0x2850 ss:$0x81] =	vst.msk $0xffff, v2  }
0x65: {  	s22 =	sshra.s32 s22, $0x2;
	v59 =	vld [tilespmem:s21+$0xFFFFFFF0];
	s27 =	sand.u32 $0x300, s26;
	s23 =	sadd.s32 s23, s24;
	[tilespmem:s20+$0x3060 ss:$0x81] =	vst.msk $0xffff, v3  }
0x66: {  	v60 =	vld [tilespmem:s21+$0x0];
	s19 =	sadd.s32 s22, s19;
	s23 =	sor.u32 s27, s23;
	[tilespmem:s20+$0x0 ss:$0x81] =	vst.msk $0xffff, v0  }
0x67: {  	v61 =	vld [tilespmem:s21+$0x10];
	s16 =	smul.u32 $0x2A0000, s16;
	s23 =	sshrl.u32 s23, $0x8;
	[tilespmem:s19+$0x3870 ss:$0x81] =	vst.msk $0xffff, v1  }
0x68: {  	v62 =	vld [tilespmem:s21+$0x20];
	s28 =	smulhi.u32 $0x124924A, s23;
	[tilespmem:s19+$0x810 ss:$0x81] =	vst.msk $0xffff, v5  }
0x69: {  	v63 =	vld [tilespmem:s21+$0xFFFFFFC0];
	s29 =	sand.u32 $0x78, s14;
	s15 =	smul.u32 $0x1C00, s15;
	[tilespmem:s19+$0x1020 ss:$0x81] =	vst.msk $0xffff, v58  }
0x6a: {  	s30 =	sand.u32 $0x7, s14;
	s17 =	sand.u32 $0x80, s26;
	[tilespmem:s19+$0x1830 ss:$0x81] =	vst.msk $0xffff, v59;
	s20 =	smul.u32 $0xE0, s28  }
.Ltmp6:
0x6b: {  	s17 =	sor.u32 s29, s17;
	s16 =	sadd.s32 s3, s16;
	[tilespmem:s19+$0x2040 ss:$0x81] =	vst.msk $0xffff, v60;
	(pc) =	sbr.rel .LBB1_7-.Ltmp6, $4  }
0x6c: {  	s17 =	sshrl.u32 s17, $0x3;
	s15 =	sadd.s32 s15, s16;
	[tilespmem:s19+$0x2850 ss:$0x81] =	vst.msk $0xffff, v61;
	s20 =	ssub.s32 s23, s20  }
0x6d: {  	s14 =	sshll.u32 s30, $0x12;
	s15 =	sadd.s32 s17, s15;
	[tilespmem:s19+$0x3060 ss:$0x81] =	vst.msk $0xffff, v62;
	s31 =	sshll.u32 s20, $0x5  }
0x6e: {  	s14 =	sor.u32 $0x80, s14;
	[tilespmem:s19+$0x0 ss:$0x81] =	vst.msk $0xffff, v63;
	s15 =	sadd.s32 s31, s15  }
0x6f: {  	[hbm4b:s15+s14] =	stream.strided.scatter [tilespmem:s18], [sflag:$0x2], $0x4000, s8, s14, $0x20;
	[tilespmem:$0x10100] =	vst v63  }
.LBB1_8:
0x70: {  	_ =	sfence.sel $0x180000  }
0x71: {  	s2 =	simm.s32 $0x1;
	[bflag:$0x0] =	sbarrier.arrive $0xFFFF  }
0x72: {  	s31 =	simm.s32 $0x2;
	[sflag:s2] =	ssyncpa.u1 $0x1  }
0x73: {  	[sflag:s31] =	ssyncpa.u1 $0x1  }
0x74: {  	p0 =	sne.s32 s1, $0x0;
	_ =	strace $0x90000047  }
0x75: {  	s0 =	sadd.s32 @!p0 $0x100000, s0;
	[bflag:$0x2] =	sbarrier.arrive $0xFFFF  }
0x76: {  	[sflag:s0] =	ssyncadd.tile.s32 @!p0 $0x1;
	_ =	shalt  }
.Lfunc_end1:
_tile_overlayer_lowered:
.L_overlay_start_2:
0x77: {  	(tag) =	ssettag $0x2  }
0x78: {  	s0 =	rddreg [dreg:$0x0];
	s2 =	stileid.u32  }
0x79: {  	s1 =	rddreg [dreg:$0x1];
	p0 =	sne.s32 s2, $0x0  }
0x7a: {  	s3 =	rddreg [dreg:$0x2];
	[bflag:$0x3] =	sbarrier.arrive $0xFFFF;
	s2 =	simm.s32 @!p0 $0x1C01  }
0x7b: {  	[timem:s3], [sflag:s2] =	dma.local @!p0 [hbm:s0], s1  }
0x7c: {  	s0 =	simm.s32 @!p0 $0x1  }
0x7d: {  	_ =	swait.ge @!p0 [sflag:s0], s1  }
0x7e: {  	s1 =	ssub.s32 @!p0 $0x0, s1;
	[sflag:s0] =	ssyncset.done @!p0 $0x0  }
0x7f: {  	[sflag:s0] =	ssyncadd.s32 @!p0 s1  }
0x80: {  	[bflag:$0x3] =	sbarrier.arrive $0xFFFF  }
0x81: {  	_ =	shalt  }

</sc_bundles>
